<compile_context>
chip_gen: v7x
topology: tpu7x:2x2x1
jax: 0.10.2.dev20260603
libtpu: 0.0.44.dev20260713+nightly
codegen_flags: <defaults>
</compile_context>

<pallas_src>
import functools

import jax
import jax.numpy as jnp
from jax import lax
from jax.experimental import pallas as pl
from jax.experimental.pallas import tpu as pltpu
from jax.experimental.pallas import tpu_sc as plsc

_TEMP = 0.08838834764831845
_C = 129
_CP = 136
_NT = 4096


def _attn_body(q_ref, ks_ref, vs_ref, cnt_ref, o_ref, a0_ref):
    q = q_ref[0]
    ks = ks_ref[0]
    vs = vs_ref[0]
    cnt = cnt_ref[0]
    lane = lax.broadcasted_iota(jnp.int32, (1, _CP), 1)
    w = jnp.where(lane < _C, _TEMP / cnt, 0.0)
    qk = lax.dot_general(q.astype(jnp.bfloat16), ks.astype(jnp.bfloat16),
                         (((1,), (1,)), ((), ())),
                         preferred_element_type=jnp.float32)
    p = jnp.exp(qk * w)
    z = jnp.sum(p * cnt, axis=1, keepdims=True)
    o_ref[0] = lax.dot_general(p.astype(jnp.bfloat16), vs.astype(jnp.bfloat16),
                               (((1,), (0,)), ((), ())),
                               preferred_element_type=jnp.float32) / z
    a0_ref[0] = p[:, 0:1] * cnt[0, 0] / z


_CH = 128


def _sc_centers_body(keys_hbm, values_hbm, offidx_hbm, zkd_hbm, zc_hbm, ones_hbm,
                     ksum_hbm, vsum_hbm, cnt_hbm,
                     idxbuf, kbuf, vbuf, onesbuf, acck_sh, accv_sh, accc_sh):
    c = lax.axis_index("c")
    s = lax.axis_index("s")
    b = s * 2 + c
    base = s * _CP
    pltpu.sync_copy(zkd_hbm, acck_sh.at[pl.ds(base, _CP)])
    pltpu.sync_copy(zkd_hbm, accv_sh.at[pl.ds(base, _CP)])
    pltpu.sync_copy(zc_hbm, accc_sh.at[pl.ds(base, _CP)])
    pltpu.sync_copy(ones_hbm, onesbuf)

    def blk(i, carry):
        off = i * _CH
        pltpu.sync_copy(offidx_hbm.at[b, pl.ds(off, _CH)], idxbuf)
        pltpu.sync_copy(keys_hbm.at[b, pl.ds(off, _CH)], kbuf)
        pltpu.sync_copy(values_hbm.at[b, pl.ds(off, _CH)], vbuf)
        pltpu.sync_copy(kbuf, acck_sh.at[idxbuf], add=True)
        pltpu.sync_copy(vbuf, accv_sh.at[idxbuf], add=True)
        pltpu.sync_copy(onesbuf, accc_sh.at[idxbuf], add=True)
        return carry

    lax.fori_loop(0, 4096 // _CH, blk, 0)
    pltpu.sync_copy(acck_sh.at[pl.ds(base, _CP)], ksum_hbm.at[b])
    pltpu.sync_copy(accv_sh.at[pl.ds(base, _CP)], vsum_hbm.at[b])
    pltpu.sync_copy(accc_sh.at[pl.ds(base, _CP)], cnt_hbm.at[b])


def _centers(keys, values, clusters):
    b, n, d = keys.shape
    nsub = 16
    mesh = plsc.VectorSubcoreMesh(core_axis_name="c", subcore_axis_name="s")
    f = pl.kernel(
        _sc_centers_body,
        out_type=[
            jax.ShapeDtypeStruct((b, _CP, d), jnp.float32),
            jax.ShapeDtypeStruct((b, _CP, d), jnp.float32),
            jax.ShapeDtypeStruct((b, _CP, 16), jnp.float32),
        ],
        mesh=mesh,
        scratch_types=[
            pltpu.VMEM((_CH,), jnp.int32),
            pltpu.VMEM((_CH, d), jnp.float32),
            pltpu.VMEM((_CH, d), jnp.float32),
            pltpu.VMEM((_CH, 16), jnp.float32),
            pltpu.VMEM_SHARED((nsub * _CP, d), jnp.float32),
            pltpu.VMEM_SHARED((nsub * _CP, d), jnp.float32),
            pltpu.VMEM_SHARED((nsub * _CP, 16), jnp.float32),
        ],
    )
    bi = jnp.arange(b, dtype=jnp.int32)
    offidx = clusters[bi % 2] + (bi // 2 * _CP)[:, None]
    zkd = jnp.zeros((_CP, d), jnp.float32)
    zc = jnp.zeros((_CP, 16), jnp.float32)
    ones = jnp.ones((_CH, 16), jnp.float32)
    return f(keys, values, offidx, zkd, zc, ones)


def _attention(queries, ksums, vsums, counts):
    b, n, d = queries.shape
    return pl.pallas_call(
        _attn_body,
        grid=(b,),
        in_specs=[
            pl.BlockSpec((1, _NT, d), lambda i: (i, 0, 0)),
            pl.BlockSpec((1, _CP, d), lambda i: (i, 0, 0)),
            pl.BlockSpec((1, _CP, d), lambda i: (i, 0, 0)),
            pl.BlockSpec((1, 1, _CP), lambda i: (i, 0, 0)),
        ],
        out_specs=[
            pl.BlockSpec((1, _NT, d), lambda i: (i, 0, 0)),
            pl.BlockSpec((1, _NT, 1), lambda i: (i, 0, 0)),
        ],
        compiler_params=pltpu.CompilerParams(
            dimension_semantics=("arbitrary",)),
        out_shape=[
            jax.ShapeDtypeStruct((b, n, d), jnp.float32),
            jax.ShapeDtypeStruct((b, n, 1), jnp.float32),
        ],
    )(queries, ksums, vsums, counts)


def kernel(queries, keys, values, clusters):
    b, n, d = queries.shape
    ksums, vsums, cnt16 = _centers(keys, values, clusters)
    counts = cnt16[:, :, 0].reshape(b, 1, _CP)
    v, a0 = _attention(queries, ksums, vsums, counts)
    return v, a0.reshape(b, n)

# --- scband reference (transcript-rebuilt; emitter-appended) ---
"""Pipeline reference for scband-ada-clustering-attention-82867099009675 (READ-ONLY COPY).

The authoritative reference and input builder live on the scoring server;
editing this copy changes nothing except your own understanding.
"""

import jax, jax.numpy as jnp
import numpy as np

GROUP_Q = False
GROUP_K = True
SOFTMAX_TEMP = 0.08838834764831845
NUM_CLUSTERS = 128

B, N, D = 32, 4096, 128
CB = 2  # clusters leading dim (batch, before head-repeat)


def setup_inputs(seed: int = 0) -> dict:
    key = jax.random.key(seed)
    k1, k2, k3, k4 = jax.random.split(key, 4)
    queries = jax.random.normal(k1, (B, N, D), dtype=jnp.float32)
    keys = jax.random.normal(k2, (B, N, D), dtype=jnp.float32)
    values = jax.random.normal(k3, (B, N, D), dtype=jnp.float32)
    clusters = jax.random.randint(k4, (CB, N), 0, NUM_CLUSTERS + 1, dtype=jnp.int32)
    return {"queries": queries, "keys": keys, "values": values, "clusters": clusters}


def _create_clusters(clusters, batch, C):
    counts = jax.vmap(lambda c: jnp.bincount(c, length=C))(clusters)
    rep = batch // clusters.shape[0]
    groups = jnp.tile(clusters, (rep, 1))
    counts = jnp.tile(counts, (rep, 1))
    return groups, counts


def weighted_sum(x, groups, weights, C):
    # center[b, c, :] = weights[b, c] * sum_{i: groups[b,i]==c} x[b, i, :]
    sums = jax.vmap(lambda xb, gb: jax.ops.segment_sum(xb, gb, num_segments=C))(x, groups)
    return sums * weights[:, :, None]


def reference(queries, keys, values, clusters):
    C = NUM_CLUSTERS + 1
    batch = queries.shape[0]
    # group_Q = False -> Q_center = queries
    Q_center = queries
    # group_K = True -> cluster keys and values
    k_groups, k_counts = _create_clusters(clusters, batch, C)
    w = 1.0 / k_counts.astype(jnp.float32)
    K_center = weighted_sum(keys, k_groups, w, C)
    V_center = weighted_sum(values, k_groups, w, C)
    QK = jnp.einsum('bnd,bcd->bnc', Q_center, K_center)
    A_full = jax.nn.softmax(SOFTMAX_TEMP * QK, axis=-1)
    # weighted softmax: multiply by cluster counts, renormalize
    A_full = A_full * k_counts[:, None, :].astype(jnp.float32)
    A_full = A_full / jnp.sum(A_full, axis=-1, keepdims=True)
    V = jnp.einsum('bnc,bcd->bnd', A_full, V_center)
    return (V, A_full[:, :, 0])

if __name__ == "__main__":
    import jax
    _d = setup_inputs()
    print(jax.jit(kernel)(*tuple(_d.values())))

</pallas_src>

<mosaic_0001>
#map = affine_map<(d0, d1) -> (0, 0, 0)>
#map1 = affine_map<(d0, d1) -> (0, 0)>
module attributes {stable_mosaic.version = 14 : i64} {
  func.func @_sc_centers_body(%arg0: i32, %arg1: i32, %arg2: memref<32x4096x128xf32, #tpu.memory_space<hbm>>, %arg3: memref<32x4096x128xf32, #tpu.memory_space<hbm>>, %arg4: memref<32x4096xi32, #tpu.memory_space<hbm>>, %arg5: memref<136x128xf32, #tpu.memory_space<hbm>>, %arg6: memref<136x16xf32, #tpu.memory_space<hbm>>, %arg7: memref<128x16xf32, #tpu.memory_space<hbm>>, %arg8: memref<32x136x128xf32, #tpu.memory_space<hbm>>, %arg9: memref<32x136x128xf32, #tpu.memory_space<hbm>>, %arg10: memref<32x136x16xf32, #tpu.memory_space<hbm>>, %arg11: memref<128xi32, #tpu.memory_space<vmem>>, %arg12: memref<128x128xf32, #tpu.memory_space<vmem>>, %arg13: memref<128x128xf32, #tpu.memory_space<vmem>>, %arg14: memref<128x16xf32, #tpu.memory_space<vmem>>, %arg15: memref<2176x128xf32, #tpu.memory_space<vmem_shared>>, %arg16: memref<2176x128xf32, #tpu.memory_space<vmem_shared>>, %arg17: memref<2176x16xf32, #tpu.memory_space<vmem_shared>>) attributes {dimension_semantics = [#tpu.dimension_semantics<core_parallel>, #tpu.dimension_semantics<subcore_parallel>], iteration_bounds = array<i64: 2, 16>, scalar_prefetch = 0 : i64, scratch_operands = 7 : i64, tpu.core_type = #tpu.core_type<sc_vector_subcore>, window_params = [{transform_indices = #map}, {transform_indices = #map}, {transform_indices = #map1}, {transform_indices = #map1}, {transform_indices = #map1}, {transform_indices = #map1}, {transform_indices = #map}, {transform_indices = #map}, {transform_indices = #map}]} {
    %mul3A = arith.constant 2 : i32
    %mul3A_0 = arith.muli %arg1, %mul3A : i32
    %add3A = arith.addi %mul3A_0, %arg0 : i32
    %mul3A_1 = arith.constant 136 : i32
    %mul3A_2 = arith.muli %arg1, %mul3A_1 : i32
    "tpu.region"() ({
      %run_scoped3A = tpu.sem_alloc : memref<!tpu.dma_semaphore, #tpu.memory_space<semaphore_mem>>
      %dma_start3A = arith.constant 0 : i32
      %dma_start3A_8 = tpu.memref_slice %arg15[%mul3A_2, %dma_start3A] : memref<2176x128xf32, #tpu.memory_space<vmem_shared>> -> memref<136x128xf32, #tpu.memory_space<vmem_shared>>
      tpu.enqueue_dma source(%arg5 : memref<136x128xf32, #tpu.memory_space<hbm>>) target(%dma_start3A_8 : memref<136x128xf32, #tpu.memory_space<vmem_shared>>) target_semaphore(%run_scoped3A : memref<!tpu.dma_semaphore, #tpu.memory_space<semaphore_mem>>)
      %dma_wait3A = arith.constant 0 : i32
      %dma_wait3A_9 = tpu.memref_slice %arg15[%mul3A_2, %dma_wait3A] : memref<2176x128xf32, #tpu.memory_space<vmem_shared>> -> memref<136x128xf32, #tpu.memory_space<vmem_shared>>
      tpu.wait_dma2 semaphore(%run_scoped3A : memref<!tpu.dma_semaphore, #tpu.memory_space<semaphore_mem>>) src(%arg5 : memref<136x128xf32, #tpu.memory_space<hbm>>) dst(%dma_wait3A_9 : memref<136x128xf32, #tpu.memory_space<vmem_shared>>)
      tpu.yield
    }) : () -> ()
    "tpu.region"() ({
      %run_scoped3A = tpu.sem_alloc : memref<!tpu.dma_semaphore, #tpu.memory_space<semaphore_mem>>
      %dma_start3A = arith.constant 0 : i32
      %dma_start3A_8 = tpu.memref_slice %arg16[%mul3A_2, %dma_start3A] : memref<2176x128xf32, #tpu.memory_space<vmem_shared>> -> memref<136x128xf32, #tpu.memory_space<vmem_shared>>
      tpu.enqueue_dma source(%arg5 : memref<136x128xf32, #tpu.memory_space<hbm>>) target(%dma_start3A_8 : memref<136x128xf32, #tpu.memory_space<vmem_shared>>) target_semaphore(%run_scoped3A : memref<!tpu.dma_semaphore, #tpu.memory_space<semaphore_mem>>)
      %dma_wait3A = arith.constant 0 : i32
      %dma_wait3A_9 = tpu.memref_slice %arg16[%mul3A_2, %dma_wait3A] : memref<2176x128xf32, #tpu.memory_space<vmem_shared>> -> memref<136x128xf32, #tpu.memory_space<vmem_shared>>
      tpu.wait_dma2 semaphore(%run_scoped3A : memref<!tpu.dma_semaphore, #tpu.memory_space<semaphore_mem>>) src(%arg5 : memref<136x128xf32, #tpu.memory_space<hbm>>) dst(%dma_wait3A_9 : memref<136x128xf32, #tpu.memory_space<vmem_shared>>)
      tpu.yield
    }) : () -> ()
    "tpu.region"() ({
      %run_scoped3A = tpu.sem_alloc : memref<!tpu.dma_semaphore, #tpu.memory_space<semaphore_mem>>
      %dma_start3A = arith.constant 0 : i32
      %dma_start3A_8 = tpu.memref_slice %arg17[%mul3A_2, %dma_start3A] : memref<2176x16xf32, #tpu.memory_space<vmem_shared>> -> memref<136x16xf32, #tpu.memory_space<vmem_shared>>
      tpu.enqueue_dma source(%arg6 : memref<136x16xf32, #tpu.memory_space<hbm>>) target(%dma_start3A_8 : memref<136x16xf32, #tpu.memory_space<vmem_shared>>) target_semaphore(%run_scoped3A : memref<!tpu.dma_semaphore, #tpu.memory_space<semaphore_mem>>)
      %dma_wait3A = arith.constant 0 : i32
      %dma_wait3A_9 = tpu.memref_slice %arg17[%mul3A_2, %dma_wait3A] : memref<2176x16xf32, #tpu.memory_space<vmem_shared>> -> memref<136x16xf32, #tpu.memory_space<vmem_shared>>
      tpu.wait_dma2 semaphore(%run_scoped3A : memref<!tpu.dma_semaphore, #tpu.memory_space<semaphore_mem>>) src(%arg6 : memref<136x16xf32, #tpu.memory_space<hbm>>) dst(%dma_wait3A_9 : memref<136x16xf32, #tpu.memory_space<vmem_shared>>)
      tpu.yield
    }) : () -> ()
    "tpu.region"() ({
      %run_scoped3A = tpu.sem_alloc : memref<!tpu.dma_semaphore, #tpu.memory_space<semaphore_mem>>
      tpu.enqueue_dma source(%arg7 : memref<128x16xf32, #tpu.memory_space<hbm>>) target(%arg14 : memref<128x16xf32, #tpu.memory_space<vmem>>) target_semaphore(%run_scoped3A : memref<!tpu.dma_semaphore, #tpu.memory_space<semaphore_mem>>)
      tpu.wait_dma2 semaphore(%run_scoped3A : memref<!tpu.dma_semaphore, #tpu.memory_space<semaphore_mem>>) src(%arg7 : memref<128x16xf32, #tpu.memory_space<hbm>>) dst(%arg14 : memref<128x16xf32, #tpu.memory_space<vmem>>)
      tpu.yield
    }) : () -> ()
    %scan3A = arith.constant 0 : i32
    %scan3A_3 = arith.constant 0 : i32
    %scan3A_4 = arith.constant 32 : i32
    %scan3A_5 = arith.addi %scan3A_3, %scan3A_4 : i32
    %scan3A_6 = arith.constant 1 : i32
    scf.for %scan3A_8 = %scan3A_3 to %scan3A_5 step %scan3A_6  : i32 {
      %mul3A_9 = arith.constant 128 : i32
      %mul3A_10 = arith.muli %scan3A_8, %mul3A_9 : i32
      "tpu.region"() ({
        %run_scoped3A = tpu.sem_alloc : memref<!tpu.dma_semaphore, #tpu.memory_space<semaphore_mem>>
        %dma_start3A = tpu.memref_slice %arg4[%add3A, %mul3A_10] : memref<32x4096xi32, #tpu.memory_space<hbm>> -> memref<1x128xi32, #tpu.memory_space<hbm>>
        %dma_start3A_11 = tpu.memref_squeeze %dma_start3A : memref<1x128xi32, #tpu.memory_space<hbm>> -> memref<128xi32, #tpu.memory_space<hbm>>
        %dma_start3A_12 = tpu.memref_slice %arg4[%add3A, %mul3A_10] : memref<32x4096xi32, #tpu.memory_space<hbm>> -> memref<1x128xi32, #tpu.memory_space<hbm>>
        %dma_start3A_13 = tpu.memref_squeeze %dma_start3A_12 : memref<1x128xi32, #tpu.memory_space<hbm>> -> memref<128xi32, #tpu.memory_space<hbm>>
        tpu.enqueue_dma source(%dma_start3A_13 : memref<128xi32, #tpu.memory_space<hbm>>) target(%arg11 : memref<128xi32, #tpu.memory_space<vmem>>) target_semaphore(%run_scoped3A : memref<!tpu.dma_semaphore, #tpu.memory_space<semaphore_mem>>)
        %dma_wait3A = tpu.memref_slice %arg4[%add3A, %mul3A_10] : memref<32x4096xi32, #tpu.memory_space<hbm>> -> memref<1x128xi32, #tpu.memory_space<hbm>>
        %dma_wait3A_14 = tpu.memref_squeeze %dma_wait3A : memref<1x128xi32, #tpu.memory_space<hbm>> -> memref<128xi32, #tpu.memory_space<hbm>>
        %dma_wait3A_15 = tpu.memref_slice %arg4[%add3A, %mul3A_10] : memref<32x4096xi32, #tpu.memory_space<hbm>> -> memref<1x128xi32, #tpu.memory_space<hbm>>
        %dma_wait3A_16 = tpu.memref_squeeze %dma_wait3A_15 : memref<1x128xi32, #tpu.memory_space<hbm>> -> memref<128xi32, #tpu.memory_space<hbm>>
        tpu.wait_dma2 semaphore(%run_scoped3A : memref<!tpu.dma_semaphore, #tpu.memory_space<semaphore_mem>>) src(%dma_wait3A_16 : memref<128xi32, #tpu.memory_space<hbm>>) dst(%arg11 : memref<128xi32, #tpu.memory_space<vmem>>)
        tpu.yield
      }) : () -> ()
      "tpu.region"() ({
        %run_scoped3A = tpu.sem_alloc : memref<!tpu.dma_semaphore, #tpu.memory_space<semaphore_mem>>
        %dma_start3A = arith.constant 0 : i32
        %dma_start3A_11 = tpu.memref_slice %arg2[%add3A, %mul3A_10, %dma_start3A] : memref<32x4096x128xf32, #tpu.memory_space<hbm>> -> memref<1x128x128xf32, #tpu.memory_space<hbm>>
        %dma_start3A_12 = tpu.memref_squeeze %dma_start3A_11 : memref<1x128x128xf32, #tpu.memory_space<hbm>> -> memref<128x128xf32, #tpu.memory_space<hbm>>
        %dma_start3A_13 = arith.constant 0 : i32
        %dma_start3A_14 = tpu.memref_slice %arg2[%add3A, %mul3A_10, %dma_start3A_13] : memref<32x4096x128xf32, #tpu.memory_space<hbm>> -> memref<1x128x128xf32, #tpu.memory_space<hbm>>
        %dma_start3A_15 = tpu.memref_squeeze %dma_start3A_14 : memref<1x128x128xf32, #tpu.memory_space<hbm>> -> memref<128x128xf32, #tpu.memory_space<hbm>>
        tpu.enqueue_dma source(%dma_start3A_15 : memref<128x128xf32, #tpu.memory_space<hbm>>) target(%arg12 : memref<128x128xf32, #tpu.memory_space<vmem>>) target_semaphore(%run_scoped3A : memref<!tpu.dma_semaphore, #tpu.memory_space<semaphore_mem>>)
        %dma_wait3A = arith.constant 0 : i32
        %dma_wait3A_16 = tpu.memref_slice %arg2[%add3A, %mul3A_10, %dma_wait3A] : memref<32x4096x128xf32, #tpu.memory_space<hbm>> -> memref<1x128x128xf32, #tpu.memory_space<hbm>>
        %dma_wait3A_17 = tpu.memref_squeeze %dma_wait3A_16 : memref<1x128x128xf32, #tpu.memory_space<hbm>> -> memref<128x128xf32, #tpu.memory_space<hbm>>
        %dma_wait3A_18 = arith.constant 0 : i32
        %dma_wait3A_19 = tpu.memref_slice %arg2[%add3A, %mul3A_10, %dma_wait3A_18] : memref<32x4096x128xf32, #tpu.memory_space<hbm>> -> memref<1x128x128xf32, #tpu.memory_space<hbm>>
        %dma_wait3A_20 = tpu.memref_squeeze %dma_wait3A_19 : memref<1x128x128xf32, #tpu.memory_space<hbm>> -> memref<128x128xf32, #tpu.memory_space<hbm>>
        tpu.wait_dma2 semaphore(%run_scoped3A : memref<!tpu.dma_semaphore, #tpu.memory_space<semaphore_mem>>) src(%dma_wait3A_20 : memref<128x128xf32, #tpu.memory_space<hbm>>) dst(%arg12 : memref<128x128xf32, #tpu.memory_space<vmem>>)
        tpu.yield
      }) : () -> ()
      "tpu.region"() ({
        %run_scoped3A = tpu.sem_alloc : memref<!tpu.dma_semaphore, #tpu.memory_space<semaphore_mem>>
        %dma_start3A = arith.constant 0 : i32
        %dma_start3A_11 = tpu.memref_slice %arg3[%add3A, %mul3A_10, %dma_start3A] : memref<32x4096x128xf32, #tpu.memory_space<hbm>> -> memref<1x128x128xf32, #tpu.memory_space<hbm>>
        %dma_start3A_12 = tpu.memref_squeeze %dma_start3A_11 : memref<1x128x128xf32, #tpu.memory_space<hbm>> -> memref<128x128xf32, #tpu.memory_space<hbm>>
        %dma_start3A_13 = arith.constant 0 : i32
        %dma_start3A_14 = tpu.memref_slice %arg3[%add3A, %mul3A_10, %dma_start3A_13] : memref<32x4096x128xf32, #tpu.memory_space<hbm>> -> memref<1x128x128xf32, #tpu.memory_space<hbm>>
        %dma_start3A_15 = tpu.memref_squeeze %dma_start3A_14 : memref<1x128x128xf32, #tpu.memory_space<hbm>> -> memref<128x128xf32, #tpu.memory_space<hbm>>
        tpu.enqueue_dma source(%dma_start3A_15 : memref<128x128xf32, #tpu.memory_space<hbm>>) target(%arg13 : memref<128x128xf32, #tpu.memory_space<vmem>>) target_semaphore(%run_scoped3A : memref<!tpu.dma_semaphore, #tpu.memory_space<semaphore_mem>>)
        %dma_wait3A = arith.constant 0 : i32
        %dma_wait3A_16 = tpu.memref_slice %arg3[%add3A, %mul3A_10, %dma_wait3A] : memref<32x4096x128xf32, #tpu.memory_space<hbm>> -> memref<1x128x128xf32, #tpu.memory_space<hbm>>
        %dma_wait3A_17 = tpu.memref_squeeze %dma_wait3A_16 : memref<1x128x128xf32, #tpu.memory_space<hbm>> -> memref<128x128xf32, #tpu.memory_space<hbm>>
        %dma_wait3A_18 = arith.constant 0 : i32
        %dma_wait3A_19 = tpu.memref_slice %arg3[%add3A, %mul3A_10, %dma_wait3A_18] : memref<32x4096x128xf32, #tpu.memory_space<hbm>> -> memref<1x128x128xf32, #tpu.memory_space<hbm>>
        %dma_wait3A_20 = tpu.memref_squeeze %dma_wait3A_19 : memref<1x128x128xf32, #tpu.memory_space<hbm>> -> memref<128x128xf32, #tpu.memory_space<hbm>>
        tpu.wait_dma2 semaphore(%run_scoped3A : memref<!tpu.dma_semaphore, #tpu.memory_space<semaphore_mem>>) src(%dma_wait3A_20 : memref<128x128xf32, #tpu.memory_space<hbm>>) dst(%arg13 : memref<128x128xf32, #tpu.memory_space<vmem>>)
        tpu.yield
      }) : () -> ()
      "tpu.region"() ({
        %run_scoped3A = tpu.sem_alloc : memref<!tpu.dma_semaphore, #tpu.memory_space<semaphore_mem>>
        %dma_start3A = arith.constant 0 : i32
        %dma_start3A_11 = arith.constant 0 : i32
        %dma_start3A_12 = tpu.memref_slice %arg15[%dma_start3A, %dma_start3A_11] : memref<2176x128xf32, #tpu.memory_space<vmem_shared>> -> memref<2176x128xf32, #tpu.memory_space<vmem_shared>>
        tpu.enqueue_indirect_dma source(%arg12 : memref<128x128xf32, #tpu.memory_space<vmem>>) target(%dma_start3A_12 : memref<2176x128xf32, #tpu.memory_space<vmem_shared>>) offsets(%arg11 : memref<128xi32, #tpu.memory_space<vmem>>) semaphore(%run_scoped3A : memref<!tpu.dma_semaphore, #tpu.memory_space<semaphore_mem>>) {add = true}
        %dma_wait3A = arith.constant 0 : i32
        %dma_wait3A_13 = arith.constant 0 : i32
        %dma_wait3A_14 = tpu.memref_slice %arg15[%dma_wait3A, %dma_wait3A_13] : memref<2176x128xf32, #tpu.memory_space<vmem_shared>> -> memref<2176x128xf32, #tpu.memory_space<vmem_shared>>
        tpu.wait_indirect_dma semaphore(%run_scoped3A : memref<!tpu.dma_semaphore, #tpu.memory_space<semaphore_mem>>) src(%arg12 : memref<128x128xf32, #tpu.memory_space<vmem>>) dst(%dma_wait3A_14 : memref<2176x128xf32, #tpu.memory_space<vmem_shared>>)
        tpu.yield
      }) : () -> ()
      "tpu.region"() ({
        %run_scoped3A = tpu.sem_alloc : memref<!tpu.dma_semaphore, #tpu.memory_space<semaphore_mem>>
        %dma_start3A = arith.constant 0 : i32
        %dma_start3A_11 = arith.constant 0 : i32
        %dma_start3A_12 = tpu.memref_slice %arg16[%dma_start3A, %dma_start3A_11] : memref<2176x128xf32, #tpu.memory_space<vmem_shared>> -> memref<2176x128xf32, #tpu.memory_space<vmem_shared>>
        tpu.enqueue_indirect_dma source(%arg13 : memref<128x128xf32, #tpu.memory_space<vmem>>) target(%dma_start3A_12 : memref<2176x128xf32, #tpu.memory_space<vmem_shared>>) offsets(%arg11 : memref<128xi32, #tpu.memory_space<vmem>>) semaphore(%run_scoped3A : memref<!tpu.dma_semaphore, #tpu.memory_space<semaphore_mem>>) {add = true}
        %dma_wait3A = arith.constant 0 : i32
        %dma_wait3A_13 = arith.constant 0 : i32
        %dma_wait3A_14 = tpu.memref_slice %arg16[%dma_wait3A, %dma_wait3A_13] : memref<2176x128xf32, #tpu.memory_space<vmem_shared>> -> memref<2176x128xf32, #tpu.memory_space<vmem_shared>>
        tpu.wait_indirect_dma semaphore(%run_scoped3A : memref<!tpu.dma_semaphore, #tpu.memory_space<semaphore_mem>>) src(%arg13 : memref<128x128xf32, #tpu.memory_space<vmem>>) dst(%dma_wait3A_14 : memref<2176x128xf32, #tpu.memory_space<vmem_shared>>)
        tpu.yield
      }) : () -> ()
      "tpu.region"() ({
        %run_scoped3A = tpu.sem_alloc : memref<!tpu.dma_semaphore, #tpu.memory_space<semaphore_mem>>
        %dma_start3A = arith.constant 0 : i32
        %dma_start3A_11 = arith.constant 0 : i32
        %dma_start3A_12 = tpu.memref_slice %arg17[%dma_start3A, %dma_start3A_11] : memref<2176x16xf32, #tpu.memory_space<vmem_shared>> -> memref<2176x16xf32, #tpu.memory_space<vmem_shared>>
        tpu.enqueue_indirect_dma source(%arg14 : memref<128x16xf32, #tpu.memory_space<vmem>>) target(%dma_start3A_12 : memref<2176x16xf32, #tpu.memory_space<vmem_shared>>) offsets(%arg11 : memref<128xi32, #tpu.memory_space<vmem>>) semaphore(%run_scoped3A : memref<!tpu.dma_semaphore, #tpu.memory_space<semaphore_mem>>) {add = true}
        %dma_wait3A = arith.constant 0 : i32
        %dma_wait3A_13 = arith.constant 0 : i32
        %dma_wait3A_14 = tpu.memref_slice %arg17[%dma_wait3A, %dma_wait3A_13] : memref<2176x16xf32, #tpu.memory_space<vmem_shared>> -> memref<2176x16xf32, #tpu.memory_space<vmem_shared>>
        tpu.wait_indirect_dma semaphore(%run_scoped3A : memref<!tpu.dma_semaphore, #tpu.memory_space<semaphore_mem>>) src(%arg14 : memref<128x16xf32, #tpu.memory_space<vmem>>) dst(%dma_wait3A_14 : memref<2176x16xf32, #tpu.memory_space<vmem_shared>>)
        tpu.yield
      }) : () -> ()
    }
    %scan3A_7 = arith.constant 32 : i32
    "tpu.region"() ({
      %run_scoped3A = tpu.sem_alloc : memref<!tpu.dma_semaphore, #tpu.memory_space<semaphore_mem>>
      %dma_start3A = arith.constant 0 : i32
      %dma_start3A_8 = arith.constant 0 : i32
      %dma_start3A_9 = tpu.memref_slice %arg8[%add3A, %dma_start3A, %dma_start3A_8] : memref<32x136x128xf32, #tpu.memory_space<hbm>> -> memref<1x136x128xf32, #tpu.memory_space<hbm>>
      %dma_start3A_10 = tpu.memref_squeeze %dma_start3A_9 : memref<1x136x128xf32, #tpu.memory_space<hbm>> -> memref<136x128xf32, #tpu.memory_space<hbm>>
      %dma_start3A_11 = arith.constant 0 : i32
      %dma_start3A_12 = tpu.memref_slice %arg15[%mul3A_2, %dma_start3A_11] : memref<2176x128xf32, #tpu.memory_space<vmem_shared>> -> memref<136x128xf32, #tpu.memory_space<vmem_shared>>
      tpu.enqueue_dma source(%dma_start3A_12 : memref<136x128xf32, #tpu.memory_space<vmem_shared>>) target(%dma_start3A_10 : memref<136x128xf32, #tpu.memory_space<hbm>>) target_semaphore(%run_scoped3A : memref<!tpu.dma_semaphore, #tpu.memory_space<semaphore_mem>>)
      %dma_wait3A = arith.constant 0 : i32
      %dma_wait3A_13 = arith.constant 0 : i32
      %dma_wait3A_14 = tpu.memref_slice %arg8[%add3A, %dma_wait3A, %dma_wait3A_13] : memref<32x136x128xf32, #tpu.memory_space<hbm>> -> memref<1x136x128xf32, #tpu.memory_space<hbm>>
      %dma_wait3A_15 = tpu.memref_squeeze %dma_wait3A_14 : memref<1x136x128xf32, #tpu.memory_space<hbm>> -> memref<136x128xf32, #tpu.memory_space<hbm>>
      %dma_wait3A_16 = arith.constant 0 : i32
      %dma_wait3A_17 = tpu.memref_slice %arg15[%mul3A_2, %dma_wait3A_16] : memref<2176x128xf32, #tpu.memory_space<vmem_shared>> -> memref<136x128xf32, #tpu.memory_space<vmem_shared>>
      tpu.wait_dma2 semaphore(%run_scoped3A : memref<!tpu.dma_semaphore, #tpu.memory_space<semaphore_mem>>) src(%dma_wait3A_17 : memref<136x128xf32, #tpu.memory_space<vmem_shared>>) dst(%dma_wait3A_15 : memref<136x128xf32, #tpu.memory_space<hbm>>)
      tpu.yield
    }) : () -> ()
    "tpu.region"() ({
      %run_scoped3A = tpu.sem_alloc : memref<!tpu.dma_semaphore, #tpu.memory_space<semaphore_mem>>
      %dma_start3A = arith.constant 0 : i32
      %dma_start3A_8 = arith.constant 0 : i32
      %dma_start3A_9 = tpu.memref_slice %arg9[%add3A, %dma_start3A, %dma_start3A_8] : memref<32x136x128xf32, #tpu.memory_space<hbm>> -> memref<1x136x128xf32, #tpu.memory_space<hbm>>
      %dma_start3A_10 = tpu.memref_squeeze %dma_start3A_9 : memref<1x136x128xf32, #tpu.memory_space<hbm>> -> memref<136x128xf32, #tpu.memory_space<hbm>>
      %dma_start3A_11 = arith.constant 0 : i32
      %dma_start3A_12 = tpu.memref_slice %arg16[%mul3A_2, %dma_start3A_11] : memref<2176x128xf32, #tpu.memory_space<vmem_shared>> -> memref<136x128xf32, #tpu.memory_space<vmem_shared>>
      tpu.enqueue_dma source(%dma_start3A_12 : memref<136x128xf32, #tpu.memory_space<vmem_shared>>) target(%dma_start3A_10 : memref<136x128xf32, #tpu.memory_space<hbm>>) target_semaphore(%run_scoped3A : memref<!tpu.dma_semaphore, #tpu.memory_space<semaphore_mem>>)
      %dma_wait3A = arith.constant 0 : i32
      %dma_wait3A_13 = arith.constant 0 : i32
      %dma_wait3A_14 = tpu.memref_slice %arg9[%add3A, %dma_wait3A, %dma_wait3A_13] : memref<32x136x128xf32, #tpu.memory_space<hbm>> -> memref<1x136x128xf32, #tpu.memory_space<hbm>>
      %dma_wait3A_15 = tpu.memref_squeeze %dma_wait3A_14 : memref<1x136x128xf32, #tpu.memory_space<hbm>> -> memref<136x128xf32, #tpu.memory_space<hbm>>
      %dma_wait3A_16 = arith.constant 0 : i32
      %dma_wait3A_17 = tpu.memref_slice %arg16[%mul3A_2, %dma_wait3A_16] : memref<2176x128xf32, #tpu.memory_space<vmem_shared>> -> memref<136x128xf32, #tpu.memory_space<vmem_shared>>
      tpu.wait_dma2 semaphore(%run_scoped3A : memref<!tpu.dma_semaphore, #tpu.memory_space<semaphore_mem>>) src(%dma_wait3A_17 : memref<136x128xf32, #tpu.memory_space<vmem_shared>>) dst(%dma_wait3A_15 : memref<136x128xf32, #tpu.memory_space<hbm>>)
      tpu.yield
    }) : () -> ()
    "tpu.region"() ({
      %run_scoped3A = tpu.sem_alloc : memref<!tpu.dma_semaphore, #tpu.memory_space<semaphore_mem>>
      %dma_start3A = arith.constant 0 : i32
      %dma_start3A_8 = arith.constant 0 : i32
      %dma_start3A_9 = tpu.memref_slice %arg10[%add3A, %dma_start3A, %dma_start3A_8] : memref<32x136x16xf32, #tpu.memory_space<hbm>> -> memref<1x136x16xf32, #tpu.memory_space<hbm>>
      %dma_start3A_10 = tpu.memref_squeeze %dma_start3A_9 : memref<1x136x16xf32, #tpu.memory_space<hbm>> -> memref<136x16xf32, #tpu.memory_space<hbm>>
      %dma_start3A_11 = arith.constant 0 : i32
      %dma_start3A_12 = tpu.memref_slice %arg17[%mul3A_2, %dma_start3A_11] : memref<2176x16xf32, #tpu.memory_space<vmem_shared>> -> memref<136x16xf32, #tpu.memory_space<vmem_shared>>
      tpu.enqueue_dma source(%dma_start3A_12 : memref<136x16xf32, #tpu.memory_space<vmem_shared>>) target(%dma_start3A_10 : memref<136x16xf32, #tpu.memory_space<hbm>>) target_semaphore(%run_scoped3A : memref<!tpu.dma_semaphore, #tpu.memory_space<semaphore_mem>>)
      %dma_wait3A = arith.constant 0 : i32
      %dma_wait3A_13 = arith.constant 0 : i32
      %dma_wait3A_14 = tpu.memref_slice %arg10[%add3A, %dma_wait3A, %dma_wait3A_13] : memref<32x136x16xf32, #tpu.memory_space<hbm>> -> memref<1x136x16xf32, #tpu.memory_space<hbm>>
      %dma_wait3A_15 = tpu.memref_squeeze %dma_wait3A_14 : memref<1x136x16xf32, #tpu.memory_space<hbm>> -> memref<136x16xf32, #tpu.memory_space<hbm>>
      %dma_wait3A_16 = arith.constant 0 : i32
      %dma_wait3A_17 = tpu.memref_slice %arg17[%mul3A_2, %dma_wait3A_16] : memref<2176x16xf32, #tpu.memory_space<vmem_shared>> -> memref<136x16xf32, #tpu.memory_space<vmem_shared>>
      tpu.wait_dma2 semaphore(%run_scoped3A : memref<!tpu.dma_semaphore, #tpu.memory_space<semaphore_mem>>) src(%dma_wait3A_17 : memref<136x16xf32, #tpu.memory_space<vmem_shared>>) dst(%dma_wait3A_15 : memref<136x16xf32, #tpu.memory_space<hbm>>)
      tpu.yield
    }) : () -> ()
    return
  }
}

module attributes {stable_mosaic.version = 14 : i64} {
  func.func @_attn_body(%arg0: i32, %arg1: memref<1x4096x128xf32, #tpu.memory_space<vmem>>, %arg2: memref<1x136x128xf32, #tpu.memory_space<vmem>>, %arg3: memref<1x136x128xf32, #tpu.memory_space<vmem>>, %arg4: memref<1x1x136xf32, #tpu.memory_space<vmem>>, %arg5: memref<1x4096x128xf32, #tpu.memory_space<vmem>>, %arg6: memref<1x4096x1xf32, #tpu.memory_space<vmem>>) attributes {dimension_semantics = [#tpu.dimension_semantics<arbitrary>], iteration_bounds = array<i64: 32>, scalar_prefetch = 0 : i64, scratch_operands = 0 : i64, tpu.core_type = #tpu.core_type<tc>, window_params = [{transform_indices = @transform_0, window_bounds = array<i64: 1, 4096, 128>}, {transform_indices = @transform_1, window_bounds = array<i64: 1, 136, 128>}, {transform_indices = @transform_2, window_bounds = array<i64: 1, 136, 128>}, {transform_indices = @transform_3, window_bounds = array<i64: 1, 1, 136>}, {transform_indices = @transform_4, window_bounds = array<i64: 1, 4096, 128>}, {transform_indices = @transform_5, window_bounds = array<i64: 1, 4096, 1>}]} {
    %get3A = arith.constant 0 : index
    %get3A_0 = arith.constant 0 : index
    %get3A_1 = arith.constant 0 : index
    %get3A_2 = vector.load %arg1[%get3A, %get3A_0, %get3A_1] : memref<1x4096x128xf32, #tpu.memory_space<vmem>>, vector<1x4096x128xf32>
    %get3A_3 = vector.shape_cast %get3A_2 : vector<1x4096x128xf32> to vector<4096x128xf32>
    %get3A_4 = arith.constant 0 : index
    %get3A_5 = arith.constant 0 : index
    %get3A_6 = arith.constant 0 : index
    %get3A_7 = vector.load %arg2[%get3A_4, %get3A_5, %get3A_6] : memref<1x136x128xf32, #tpu.memory_space<vmem>>, vector<1x136x128xf32>
    %get3A_8 = vector.shape_cast %get3A_7 : vector<1x136x128xf32> to vector<136x128xf32>
    %get3A_9 = arith.constant 0 : index
    %get3A_10 = arith.constant 0 : index
    %get3A_11 = arith.constant 0 : index
    %get3A_12 = vector.load %arg3[%get3A_9, %get3A_10, %get3A_11] : memref<1x136x128xf32, #tpu.memory_space<vmem>>, vector<1x136x128xf32>
    %get3A_13 = vector.shape_cast %get3A_12 : vector<1x136x128xf32> to vector<136x128xf32>
    %get3A_14 = arith.constant 0 : index
    %get3A_15 = arith.constant 0 : index
    %get3A_16 = arith.constant 0 : index
    %get3A_17 = vector.load %arg4[%get3A_14, %get3A_15, %get3A_16] : memref<1x1x136xf32, #tpu.memory_space<vmem>>, vector<1x1x136xf32>
    %get3A_18 = vector.shape_cast %get3A_17 : vector<1x1x136xf32> to vector<1x136xf32>
    %iota3A = tpu.iota {dimensions = array<i32: 1>} : vector<1x136xi32>
    %lt3A = arith.constant 129 : i32
    %lt3A_19 = vector.broadcast %lt3A : i32 to vector<1x136xi32>
    %lt3A_20 = arith.cmpi slt, %iota3A, %lt3A_19 : vector<1x136xi32>
    %div3A = arith.constant 0.0883883461 : f32
    %div3A_21 = vector.broadcast %div3A : f32 to vector<1x136xf32>
    %div3A_22 = arith.divf %div3A_21, %get3A_18 : vector<1x136xf32>
    %jit3A = arith.constant 0.000000e+00 : f32
    %broadcast_in_dim3A = vector.broadcast %jit3A : f32 to vector<1x136xf32>
    %select_n3A = arith.select %lt3A_20, %div3A_22, %broadcast_in_dim3A : vector<1x136xi1>, vector<1x136xf32>
    %convert_element_type3A = arith.truncf %get3A_3 : vector<4096x128xf32> to vector<4096x128xbf16>
    %convert_element_type3A_23 = arith.truncf %get3A_8 : vector<136x128xf32> to vector<136x128xbf16>
    %dot_general3A = arith.constant dense<0.000000e+00> : vector<4096x136xf32>
    %dot_general3A_24 = tpu.matmul %convert_element_type3A, %convert_element_type3A_23, %dot_general3A {dimension_numbers = #tpu.dot_dimension_numbers<[1], [1], [0], [0], [0, 0, 1, 0], [], []>, transpose_lhs_hint = false} : vector<4096x128xbf16>, vector<136x128xbf16>, vector<4096x136xf32> -> vector<4096x136xf32>
    %mul3A = vector.broadcast %select_n3A : vector<1x136xf32> to vector<4096x136xf32>
    %mul3A_25 = arith.mulf %dot_general3A_24, %mul3A : vector<4096x136xf32>
    %exp3A = math.exp %mul3A_25 : vector<4096x136xf32>
    %mul3A_26 = vector.broadcast %get3A_18 : vector<1x136xf32> to vector<4096x136xf32>
    %mul3A_27 = arith.mulf %exp3A, %mul3A_26 : vector<4096x136xf32>
    %reduce_sum3A = arith.constant dense<0.000000e+00> : vector<4096xf32>
    %reduce_sum3A_28 = vector.multi_reduction <add>, %mul3A_27, %reduce_sum3A [1] : vector<4096x136xf32> to vector<4096xf32>
    %broadcast_in_dim3A_29 = vector.shape_cast %reduce_sum3A_28 : vector<4096xf32> to vector<4096x1xf32>
    %convert_element_type3A_30 = arith.truncf %exp3A : vector<4096x136xf32> to vector<4096x136xbf16>
    %convert_element_type3A_31 = arith.truncf %get3A_13 : vector<136x128xf32> to vector<136x128xbf16>
    %dot_general3A_32 = arith.constant dense<0.000000e+00> : vector<4096x128xf32>
    %dot_general3A_33 = tpu.matmul %convert_element_type3A_30, %convert_element_type3A_31, %dot_general3A_32 {dimension_numbers = #tpu.dot_dimension_numbers<[1], [0], [0], [1], [0, 0, 1, 1], [], []>, transpose_lhs_hint = false} : vector<4096x136xbf16>, vector<136x128xbf16>, vector<4096x128xf32> -> vector<4096x128xf32>
    %div3A_34 = vector.broadcast %broadcast_in_dim3A_29 : vector<4096x1xf32> to vector<4096x128xf32>
    %div3A_35 = arith.divf %dot_general3A_33, %div3A_34 : vector<4096x128xf32>
    %swap3A = arith.constant 0 : index
    %swap3A_36 = arith.constant 0 : index
    %swap3A_37 = arith.constant 0 : index
    %swap3A_38 = vector.load %arg5[%swap3A, %swap3A_36, %swap3A_37] : memref<1x4096x128xf32, #tpu.memory_space<vmem>>, vector<1x4096x128xf32>
    %swap3A_39 = vector.shape_cast %swap3A_38 : vector<1x4096x128xf32> to vector<4096x128xf32>
    %swap3A_40 = vector.shape_cast %div3A_35 : vector<4096x128xf32> to vector<1x4096x128xf32>
    tpu.vector_store %arg5[%swap3A, %swap3A_36, %swap3A_37], %swap3A_40 {strides = array<i32>} : memref<1x4096x128xf32, #tpu.memory_space<vmem>>, vector<1x4096x128xf32>,
    %slice3A = vector.extract_strided_slice %exp3A {offsets = [0, 0], sizes = [4096, 1], strides = [1, 1]} : vector<4096x136xf32> to vector<4096x1xf32>
    %slice3A_41 = vector.extract_strided_slice %get3A_18 {offsets = [0, 0], sizes = [1, 1], strides = [1, 1]} : vector<1x136xf32> to vector<1x1xf32>
    %squeeze3A = vector.extract %slice3A_41[0, 0] : f32 from vector<1x1xf32>
    %mul3A_42 = vector.broadcast %squeeze3A : f32 to vector<4096x1xf32>
    %mul3A_43 = arith.mulf %slice3A, %mul3A_42 : vector<4096x1xf32>
    %div3A_44 = arith.divf %mul3A_43, %broadcast_in_dim3A_29 : vector<4096x1xf32>
    %swap3A_45 = arith.constant 0 : index
    %swap3A_46 = arith.constant 0 : index
    %swap3A_47 = arith.constant 0 : index
    %swap3A_48 = vector.load %arg6[%swap3A_45, %swap3A_46, %swap3A_47] : memref<1x4096x1xf32, #tpu.memory_space<vmem>>, vector<1x4096x1xf32>
    %swap3A_49 = vector.shape_cast %swap3A_48 : vector<1x4096x1xf32> to vector<4096x1xf32>
    %swap3A_50 = vector.shape_cast %div3A_44 : vector<4096x1xf32> to vector<1x4096x1xf32>
    tpu.vector_store %arg6[%swap3A_45, %swap3A_46, %swap3A_47], %swap3A_50 {strides = array<i32>} : memref<1x4096x1xf32, #tpu.memory_space<vmem>>, vector<1x4096x1xf32>,
    return
  }
  func.func @transform_0(%arg0: i32) -> (i32, i32, i32) {
    %c0_i32 = arith.constant 0 : i32
    %c0_i32_0 = arith.constant 0 : i32
    %c0_i32_1 = arith.constant 0 : i32
    return %arg0, %c0_i32, %c0_i32_0 : i32, i32, i32
  }
  func.func @transform_1(%arg0: i32) -> (i32, i32, i32) {
    %c0_i32 = arith.constant 0 : i32
    %c0_i32_0 = arith.constant 0 : i32
    %c0_i32_1 = arith.constant 0 : i32
    return %arg0, %c0_i32, %c0_i32_0 : i32, i32, i32
  }
  func.func @transform_2(%arg0: i32) -> (i32, i32, i32) {
    %c0_i32 = arith.constant 0 : i32
    %c0_i32_0 = arith.constant 0 : i32
    %c0_i32_1 = arith.constant 0 : i32
    return %arg0, %c0_i32, %c0_i32_0 : i32, i32, i32
  }
  func.func @transform_3(%arg0: i32) -> (i32, i32, i32) {
    %c0_i32 = arith.constant 0 : i32
    %c0_i32_0 = arith.constant 0 : i32
    %c0_i32_1 = arith.constant 0 : i32
    return %arg0, %c0_i32, %c0_i32_0 : i32, i32, i32
  }
  func.func @transform_4(%arg0: i32) -> (i32, i32, i32) {
    %c0_i32 = arith.constant 0 : i32
    %c0_i32_0 = arith.constant 0 : i32
    %c0_i32_1 = arith.constant 0 : i32
    return %arg0, %c0_i32, %c0_i32_0 : i32, i32, i32
  }
  func.func @transform_5(%arg0: i32) -> (i32, i32, i32) {
    %c0_i32 = arith.constant 0 : i32
    %c0_i32_0 = arith.constant 0 : i32
    %c0_i32_1 = arith.constant 0 : i32
    return %arg0, %c0_i32, %c0_i32_0 : i32, i32, i32
  }
}

</mosaic_0001>

<sc_bundles>
// kernel: kernel.4.cloned.1.call-start
scs
__scs_entry_jumppad:
0x0: {  	(pc) =	sbr.rel $0x88, $3  }
0x1: {  	(tag) =	ssettag $0x0;
	lr =	simm.s32 $0x1  }
0x2: {  	[smem:$0x3F9D] =	sst lr;
	_ =	strace $0xD0000000  }
0x3: {  	_ = 	snop  }
0x4: {  	_ = 	snop  }
0x5: {  	_ = 	snop  }
0x6: {  	_ = 	snop  }
0x7: {  	_ = 	snop  }
__scs_overlays_trampoline_lowered:
0x8: {  	[smem:$0x3FAC] =	sst s0  }
0x9: {  	[smem:$0x3FAD] =	sst s1  }
0xa: {  	[smem:$0x3FAE] =	sst s2  }
0xb: {  	[smem:$0x3FAF] =	sst s3  }
0xc: {  	[smem:$0x3FB0] =	sst s4  }
0xd: {  	[smem:$0x3FB1] =	sst s5  }
0xe: {  	[smem:$0x3FB2] =	sst s6  }
0xf: {  	[smem:$0x3FB3] =	sst s7  }
0x10: {  	[smem:$0x3FB4] =	sst s8  }
0x11: {  	[smem:$0x3FB5] =	sst s9;
	s0 =	simm.s32 @!p0 $0x0  }
0x12: {  	s1 =	sld [smem:$0x3F9B];
	s0 =	simm.s32 @p0 $0x1  }
0x13: {  	[smem:$0x3FB6] =	sst s0;
	s0 =	simm.s32 @!p1 $0x0  }
0x14: {  	s2 =	sld [smem:$0x3F9A];
	s0 =	simm.s32 @p1 $0x1  }
0x15: {  	[smem:$0x3FB7] =	sst s0;
	s0 =	simm.s32 @!p2 $0x0  }
0x16: {  	s3 =	sld [smem:$0x3FDB];
	s0 =	simm.s32 @p2 $0x1  }
0x17: {  	s4 =	simm.s32 $0x1BF5;
	[smem:$0x3FB9] =	sst s0  }
0x18: {  	s0 =	sld [smem:$0x3F9C];
	_ =	swait.ge [sflag:s4], $0x0  }
0x19: {  	s7 =	sld [smem:$0x3F9D]  }
0x1a: {  	s8 =	sadd.s32 $0xFFFFE003, lr  }
0x1b: {  	s9 =	sadd.s32 $0xFFFFFEF7, lr;
	s5 =	simm.s32 $0xFFFFFFFF;
	p2 =	slt.u32 s8, $0xFFFFF086  }
0x1c: {  	p1 =	slt.u32 s9, $0xF7A;
	s5 =	simm.s32 @!p2 $0x0  }
0x1d: {  	s5 =	simm.s32 @p1 $0x1;
	p0 =	seq.s32 s7, s2  }
0x1e: {  	s7 =	smul.u32 @!p0 $0xF7A, s2;
	p2 =	seq.s32 @!p0 s5, $0x0  }
0x1f: {  	s9 =	smul.u32 $0xF7A, s1;
	s8 =	simm.s32 @!p0 $0x1BF5;
	p2 =	por !p2, p0  }
0x20: {  	[sflag:s8] =	ssyncset.s32 @!p0 $0xFFFFF086;
	s6 =	sadd.s32 @!p0 s3, s7;
	s7 =	simm.s32 @!p0 $0x108  }
0x21: {  	s3 =	sadd.s32 s3, s9;
	s6 =	sadd.s32 @!p0 $0x88, s6;
	s7 =	simm.s32 @p2 $0x1082  }
0x22: {  	[simem:s7], [sflag:s8] =	dma.local @!p0 [hbm:s6], $0xF7A  }
0x23: {  	s9 =	sor.u32 $0xD0000000, s2;
	s6 =	simm.s32 $0x108;
	_ =	swait.ge @!p0 [sflag:s8], $0x0  }
0x24: {  	s3 =	sadd.s32 $0x88, s3;
	s6 =	simm.s32 @!p1 $0x1082;
	[sflag:s4] =	ssyncset.s32 $0xFFFFF086  }
0x25: {  	[simem:s6], [sflag:s4] =	dma.local [hbm:s3], $0xF7A  }
0x26: {  	[smem:$0x3F9D] =	sst s1;
	(tag) =	ssettag s2;
	_ =	strace s9  }
0x27: {  	s1 =	sld [smem:$0x3FAD]  }
0x28: {  	s2 =	sld [smem:$0x3FAE]  }
0x29: {  	s4 =	sld [smem:$0x3FB0]  }
0x2a: {  	p0 =	seq.s32 s5, $0x0;
	s5 =	sld [smem:$0x3FB1]  }
0x2b: {  	s6 =	sld [smem:$0x3FB2]  }
0x2c: {  	s7 =	sld [smem:$0x3FB3]  }
0x2d: {  	s3 =	simm.s32 $0x108;
	s8 =	sld [smem:$0x3FB4]  }
0x2e: {  	s3 =	simm.s32 @!p0 $0x1082;
	s9 =	sld [smem:$0x3FB5]  }
0x2f: {  	lr =	sadd.s32 s0, s3;
	s0 =	sld [smem:$0x3FAC]  }
0x30: {  	s3 =	sld [smem:$0x3FAF]  }
0x31: {  	[smem:$0x3FB8] =	sst s10  }
0x32: {  	s10 =	sld [smem:$0x3FB6];
	_ =	sdelay $0x3  }
0x33: {  	p0 =	seq.s32 s10, $0x1;
	s10 =	sld [smem:$0x3FB8];
	_ =	sdelay $0x3  }
0x34: {  	[smem:$0x3FB8] =	sst s10  }
0x35: {  	s10 =	sld [smem:$0x3FB7];
	_ =	sdelay $0x3  }
0x36: {  	p1 =	seq.s32 s10, $0x1;
	s10 =	sld [smem:$0x3FB8];
	_ =	sdelay $0x3  }
0x37: {  	[smem:$0x3FB8] =	sst s10  }
0x38: {  	s10 =	sld [smem:$0x3FB9]  }
0x39: {  	_ = 	snop;
	(pc) =	sbr.ind lr, $3  }
0x3a: {  	_ = 	snop  }
0x3b: {  	_ = 	snop  }
0x3c: {  	p2 =	seq.s32 s10, $0x1;
	s10 =	sld [smem:$0x3FB8]  }
0x3d: {  	_ =	shalt  }
0x3e: {  	_ =	shalt  }
0x3f: {  	_ =	shalt  }
0x40: {  	_ =	shalt  }
0x41: {  	_ =	shalt  }
0x42: {  	_ =	shalt  }
0x43: {  	_ =	shalt  }
0x44: {  	_ =	shalt  }
0x45: {  	_ =	shalt  }
0x46: {  	_ =	shalt  }
0x47: {  	_ =	shalt  }
0x48: {  	_ =	shalt  }
0x49: {  	_ =	shalt  }
0x4a: {  	_ =	shalt  }
0x4b: {  	_ =	shalt  }
0x4c: {  	_ =	shalt  }
0x4d: {  	_ =	shalt  }
0x4e: {  	_ =	shalt  }
0x4f: {  	_ =	shalt  }
0x50: {  	_ =	shalt  }
0x51: {  	_ =	shalt  }
0x52: {  	_ =	shalt  }
0x53: {  	_ =	shalt  }
0x54: {  	_ =	shalt  }
0x55: {  	_ =	shalt  }
0x56: {  	_ =	shalt  }
0x57: {  	_ =	shalt  }
0x58: {  	_ =	shalt  }
0x59: {  	_ =	shalt  }
0x5a: {  	_ =	shalt  }
0x5b: {  	_ =	shalt  }
0x5c: {  	_ =	shalt  }
0x5d: {  	_ =	shalt  }
0x5e: {  	_ =	shalt  }
0x5f: {  	_ =	shalt  }
0x60: {  	_ =	shalt  }
0x61: {  	_ =	shalt  }
0x62: {  	_ =	shalt  }
0x63: {  	_ =	shalt  }
0x64: {  	_ =	shalt  }
0x65: {  	_ =	shalt  }
0x66: {  	_ =	shalt  }
0x67: {  	_ =	shalt  }
0x68: {  	_ =	shalt  }
0x69: {  	_ =	shalt  }
0x6a: {  	_ =	shalt  }
0x6b: {  	_ =	shalt  }
0x6c: {  	_ =	shalt  }
0x6d: {  	_ =	shalt  }
0x6e: {  	_ =	shalt  }
0x6f: {  	_ =	shalt  }
0x70: {  	_ =	shalt  }
0x71: {  	_ =	shalt  }
0x72: {  	_ =	shalt  }
0x73: {  	_ =	shalt  }
0x74: {  	_ =	shalt  }
0x75: {  	_ =	shalt  }
0x76: {  	_ =	shalt  }
0x77: {  	_ =	shalt  }
0x78: {  	_ =	shalt  }
0x79: {  	_ =	shalt  }
0x7a: {  	_ =	shalt  }
0x7b: {  	_ =	shalt  }
0x7c: {  	_ =	shalt  }
0x7d: {  	_ =	shalt  }
0x7e: {  	_ =	shalt  }
0x7f: {  	_ =	shalt  }
0x80: {  	_ =	shalt  }
0x81: {  	_ =	shalt  }
0x82: {  	_ =	shalt  }
0x83: {  	_ =	shalt  }
0x84: {  	_ =	shalt  }
0x85: {  	_ =	shalt  }
0x86: {  	_ =	shalt  }
0x87: {  	_ =	shalt  }
.Lfunc_end0:
.L_simem_size_0:
called_computation_lowered:
.L_overlay_start_0:
0x88: {  	s2 =	sld [smem:$0x3FD9]  }
0x89: {  	s3 =	sld [smem:$0x3FFE];
	_ =	sdelay $0x1  }
0x8a: {  	s1 =	srdreg.scid  }
0x8b: {  	s0 =	sand.u32 $0x1, s1  }
0x8c: {  	s14 =	sshll.u32 s0, $0xA;
	s2 =	sadd.s32 s3, s2  }
0x8d: {  	s2 =	sadd.s32 s2, s14  }
0x8e: {  	[smem:$0x3FC4] =	sst s2  }
0x8f: {  	_ = 	snop  }
0x90: {  	s2 =	sld [smem:$0x3FD0];
	_ =	sdelay $0x1  }
0x91: {  	s15 =	sld [smem:$0x3FC8]  }
0x92: {  	s5 =	simm.s32 $0xA;
	s6 =	simm.s32 $0x10;
	s4 =	sld [smem:$0x3FC7]  }
0x93: {  	[smem:s6], [sflag:s5] =	dma.local [hbm:s2], $0x1  }
0x94: {  	_ =	swait.eq [sflag:s5], $0x1  }
0x95: {  	[sflag:s5] =	ssyncset.done $0x0  }
0x96: {  	s16 =	sld [smem:$0x10];
	[sflag:s5] =	ssyncadd.s32 $0xFFFFFFFF  }
0x97: {  	s17 =	sld [smem:$0x11];
	(tm) =	ssettm $0x1  }
0x98: {  	s18 =	sld [smem:$0x3FFB];
	_ =	sdelay $0x3  }
0x99: {  	_ =	strace s18  }
0x9a: {  	s6 =	sld [smem:$0x3FFC];
	_ =	sdelay $0x3  }
0x9b: {  	_ =	strace s6  }
0x9c: {  	s6 =	sld [smem:$0x3FFD];
	_ =	sdelay $0x3  }
0x9d: {  	_ =	strace s6  }
0x9e: {  	_ =	strace $0x8FFFFFFF  }
0x9f: {  	s19 =	sld [smem:$0x3FDB];
	_ =	sdelay $0x1  }
0xa0: {  	s7 =	simm.s32 $_scs_section_size  }
0xa1: {  	s8 =	simm.s32 $_size__tile_overlayer_lowered;
	s9 =	simm.s32 $_tile_overlayer_lowered  }
0xa2: {  	s22 =	simm.s32 $0x1BFF;
	s21 =	sshll.u32 s9, $0x1;
	s6 =	sadd.s32 s7, s19  }
0xa3: {  	s10 =	simm.s32 $0x0;
	s20 =	sshll.u32 s8, $0x1;
	s8 =	sadd.s32 s21, s6  }
0xa4: {  	[timem:s10], [sflag:s22] =	dma.local [hbm:s8], s20  }
0xa5: {  	_ =	swait.ge [sflag:s22], s20  }
0xa6: {  	s7 =	ssub.s32 $0x0, s20;
	[sflag:s22] =	ssyncset.done $0x0  }
0xa7: {  	[sflag:s22] =	ssyncadd.s32 s7;
	_ =	sdelay $0x1  }
0xa8: {  	s23 =	simm.s32 $0x1B8B  }
0xa9: {  	_ =	swait.ge [sflag:s23], $0x1  }
0xaa: {  	[sflag:s23] =	ssyncset.done $0x0  }
0xab: {  	s25 =	simm.s32 $0x1B8E;
	s24 =	sld [smem:$0x3FFE];
	[sflag:s23] =	ssyncadd.s32 $0xFFFFFFFF  }
0xac: {  	s26 =	simm.s32 $execute0_lowered;
	[smem:$0x3FD2] =	sst s25  }
0xad: {  	s8 =	sshll.u32 s26, $0x1;
	_ =	strace $0x80000046;
	[dreg:$0x1] =	wrdreg $0xFFFFFFFF  }
0xae: {  	s28 =	simm.s32 $_size_execute0_lowered;
	s6 =	sadd.s32 s6, s8;
	[dreg:$0x0] =	wrdreg $0x0  }
0xaf: {  	s8 =	sshll.u32 s28, $0x1;
	[dreg:$0x2] =	wrdreg s6  }
0xb0: {  	[dreg:$0x3] =	wrdreg s8  }
0xb1: {  	[dreg:$0x4] =	wrdreg $0xC0  }
0xb2: {  	_ =	task [dreg:s10], $0x5FFFF  }
0xb3: {  	[dreg:$0x1] =	wrdreg $0xFFFFFFFF  }
0xb4: {  	[dreg:$0x0] =	wrdreg $0x60  }
0xb5: {  	[dreg:$0x2] =	wrdreg s15  }
0xb6: {  	[dreg:$0x3] =	wrdreg s4  }
0xb7: {  	[dreg:$0x4] =	wrdreg s17  }
0xb8: {  	[dreg:$0x5] =	wrdreg s24  }
0xb9: {  	[dreg:$0x6] =	wrdreg s16  }
0xba: {  	[dreg:$0x7] =	wrdreg $0xC0800  }
0xbb: {  	[dreg:$0x8] =	wrdreg $0x104800  }
0xbc: {  	[dreg:$0x9] =	wrdreg $0x148800  }
0xbd: {  	[dreg:$0xa] =	wrdreg $0x9  }
0xbe: {  	_ =	task.clear_ibuf [dreg:s10], $0xBFFFF;
	_ =	strace $0x90000046  }
0xbf: {  	s29 =	simm.s32 $0x9;
	_ =	strace $0x80000048  }
0xc0: {  	_ =	swait.ge [sflag:s29], $0x1  }
0xc1: {  	[sflag:s29] =	ssyncadd.s32 $0xFFFFFFFF  }
0xc2: {  	_ =	strace $0x90000048  }
0xc3: {  	_ =	sfence  }
0xc4: {  	s30 =	sld [smem:$0x0];
	_ =	sdelay $0x2  }
0xc5: {  	s31 =	sshll.u32 s1, $0xD;
	s1 =	sshrl.u32 s1, $0x2  }
0xc6: {  	s3 =	sand.u32 $0x4000, s31;
	s1 =	sadd.s32 s1, s30  }
0xc7: {  	s0 =	sor.u32 s3, s0;
	s1 =	sshll.u32 s1, $0x11  }
0xc8: {  	s0 =	sor.u32 s1, s0  }
0xc9: {  	s0 =	sadd.s32 $0x8F2B, s0  }
0xca: {  	[sflag:s0] =	ssyncadd.remote.s32 $0x1  }
0xcb: {  	_ =	sfence.sel $0xFFFF  }
0xcc: {  	[dreg:$0x0] =	wrdreg $0xFFFFFFFF;
	(pc) =	sbr.abs _section_cstart, $3  }
0xcd: {  	[dreg:$0x1] =	wrdreg $0xFFFFFFFF  }
0xce: {  	_ =	task.clear_ibuf [dreg:s10], $0x2FFFF;
	_ =	strace $0x9FFFFFFF  }
0xcf: {  	(tm) =	ssettm $0x7FFFFFFF  }
tec
execute0_lowered:
.L_overlay_start_1:
0x0: {  	(tag) =	ssettag $0x1  }
0x1: {  	s16 =	rddreg [dreg:$0x0]  }
0x2: {  	s14 =	rddreg [dreg:$0x1]  }
0x3: {  	s17 =	rddreg [dreg:$0x2]  }
0x4: {  	s9 =	rddreg [dreg:$0x3]  }
0x5: {  	s11 =	rddreg [dreg:$0x4]  }
0x6: {  	s1 =	rddreg [dreg:$0x5]  }
0x7: {  	s2 =	rddreg [dreg:$0x6]  }
0x8: {  	s4 =	rddreg [dreg:$0x7]  }
0x9: {  	s0 =	rddreg [dreg:$0x8];
	s5 =	simm.s32 $0x0;
	s6 =	srdreg.scid  }
0xa: {  	s3 =	stileid.u32;
	[smem:$0x7FF] =	sst s5;
	s15 =	sand.u32 $0x1, s6  }
0xb: {  	s25 =	sshll.u32 s3, $0x1;
	s6 =	sadd.s32 $0x1400, s9;
	s7 =	sadd.s32 $0x1E00, s9  }
0xc: {  	s13 =	smul.u32 $0x4400, s3;
	s19 =	sshll.u32 s3, $0x6;
	s28 =	sshll.u32 s3, $0xA  }
0xd: {  	s23 =	sshll.u32 s3, $0x11;
	_ =	strace $0x80000047;
	s8 =	sor.u32 s15, s25  }
0xe: {  	s10 =	ssub.s32 $0x2, s15;
	s29 =	sand.u32 $0x3000, s28;
	s30 =	sadd.s32 s23, s14  }
0xf: {  	s24 =	sshll.u32 s15, $0x10;
	s25 =	sshll.u32 s3, $0x5;
	s16 =	sadd.s32 s23, s16  }
0x10: {  	s23 =	simm.s32 $0x4080;
	s12 =	smul.u32 $0x880, s8;
	s8 =	sadd.s32 $0xC00, s9  }
0x11: {  	s26 =	sshrl.u32 s10, $0x1;
	s21 =	sadd.s32 s13, s1;
	s22 =	sadd.s32 s13, s2  }
0x12: {  	s17 =	sadd.s32 s29, s17;
	s16 =	sadd.s32 s24, s16;
	s20 =	ssub.s32 s10, s26  }
0x13: {  	s10 =	sadd.s32 s13, s4;
	s26 =	sshll.u32 s15, $0x4;
	s15 =	sadd.s32 s24, s30  }
0x14: {  	s24 =	simm.s32 $0x0;
	s18 =	sadd.s32 s12, s9;
	s9 =	sor.u32 $0x1C01, s19  }
0x15: {  	s11 =	sadd.s32 s11, s12;
	s14 =	smax.u32 s20, $0x1;
	s31 =	sor.u32 s26, s25  }
0x16: {  	s19 =	simm.s32 $0x1;
	s20 =	sshrl.u32 s22, $0x3;
	s22 =	simm.s32 $0x80  }
0x17: {  	s12 =	sadd.s32 $0x13800, s18;
	s13 =	sadd.s32 $0x2800, s18;
	s18 =	sand.u32 $0x70, s31  }
0x18: {  	s17 =	sadd.s32 s18, s17;
	s18 =	sshrl.u32 s21, $0x3;
	s21 =	simm.s32 $0x8080  }
.LBB2_1:
0x19: {  	[spmem:s18], [sflag:s9] =	dma.local [hbm:s6], $0x880  }
0x1a: {  	_ =	swait.ge [sflag:s19], $0x880  }
0x1b: {  	[sflag:s19] =	ssyncset.done $0x0  }
0x1c: {  	[sflag:s19] =	ssyncadd.s32 $0xFFFFF780  }
0x1d: {  	[spmem:s20], [sflag:s9] =	dma.local [hbm:s6], $0x880  }
0x1e: {  	_ =	swait.ge [sflag:s19], $0x880  }
0x1f: {  	[sflag:s19] =	ssyncset.done $0x0  }
0x20: {  	s25 =	sshrl.u32 s10, $0x3;
	[sflag:s19] =	ssyncadd.s32 $0xFFFFF780  }
0x21: {  	[spmem:s25], [sflag:s9] =	dma.local [hbm:s7], $0x880  }
0x22: {  	_ =	swait.ge [sflag:s19], $0x880  }
0x23: {  	[sflag:s19] =	ssyncset.done $0x0  }
0x24: {  	[sflag:s19] =	ssyncadd.s32 $0xFFFFF780  }
0x25: {  	[tilespmem:s21], [sflag:$0x1] =	stream.linear.gather [hbm4b:s8+s5], $0x4000, $0x38;
	[tilespmem:$0x15100] =	vst v63  }
0x26: {  	_ =	swait.ge [sflag:s19], $0x4000  }
0x27: {  	[sflag:s19] =	ssyncset.done $0x0  }
0x28: {  	[sflag:s19] =	ssyncadd.s32 $0xFFFFC000  }
0x29: {  	[tilespmem:s5], [sflag:$0x1] =	stream.linear.gather [hbm4b:s17+s5], $0x80, $0x38;
	[tilespmem:$0x15100] =	vst v63  }
0x2a: {  	_ =	swait.ge [sflag:s19], $0x80  }
0x2b: {  	[sflag:s19] =	ssyncset.done $0x0  }
0x2c: {  	s26 =	sadd.s32 $0x0, s16;
	[sflag:s19] =	ssyncadd.s32 $0xFFFFFF80  }
0x2d: {  	[tilespmem:s22], [sflag:$0x1] =	stream.linear.gather [hbm4b:s26+s5], $0x4000, $0x38;
	[tilespmem:$0x15100] =	vst v63  }
0x2e: {  	_ =	swait.ge [sflag:s19], $0x4000  }
0x2f: {  	[sflag:s19] =	ssyncset.done $0x0  }
0x30: {  	s31 =	sadd.s32 $0x0, s15;
	[sflag:s19] =	ssyncadd.s32 $0xFFFFC000  }
0x31: {  	[tilespmem:s23], [sflag:$0x1] =	stream.linear.gather [hbm4b:s31+s5], $0x4000, $0x38;
	[tilespmem:$0x15100] =	vst v63  }
0x32: {  	_ =	swait.ge [sflag:s19], $0x4000  }
0x33: {  	[sflag:s19] =	ssyncset.done $0x0  }
0x34: {  	[sflag:s19] =	ssyncadd.s32 $0xFFFFC000  }
0x35: {  	[spmem:s1] =	stream.indirect.scatter.add.f32 [tilespmem:s22], [sflag:$0x1], $0x80, s5, s22, $0xb8;
	[tilespmem:$0x15100] =	vst v63  }
0x36: {  	_ =	swait.ge [sflag:s19], $0x4000  }
0x37: {  	[sflag:s19] =	ssyncset.done $0x0  }
0x38: {  	[sflag:s19] =	ssyncadd.s32 $0xFFFFC000  }
0x39: {  	[spmem:s2] =	stream.indirect.scatter.add.f32 [tilespmem:s23], [sflag:$0x1], $0x80, s5, s22, $0xb8;
	[tilespmem:$0x15100] =	vst v63  }
0x3a: {  	_ =	swait.ge [sflag:s19], $0x4000  }
0x3b: {  	[sflag:s19] =	ssyncset.done $0x0  }
0x3c: {  	[sflag:s19] =	ssyncadd.s32 $0xFFFFC000  }
0x3d: {  	[spmem:s4] =	stream.indirect.scatter.add.f32 [tilespmem:s21], [sflag:$0x1], $0x10, s5, s22, $0xb8;
	[tilespmem:$0x15100] =	vst v63  }
0x3e: {  	_ =	swait.ge [sflag:s19], $0x800  }
0x3f: {  	s28 =	smov.u32 s17;
	s26 =	simm.s32 $0x800;
	[sflag:s19] =	ssyncset.done $0x0  }
.LBB2_2:
0x40: {  	p0 =	sne.s32 s26, $0xF800;
	[sflag:s19] =	ssyncadd.s32 $0xFFFFF800;
	s28 =	sadd.s32 $0x80, s28  }
0x41: {  	[tilespmem:s5], [sflag:$0x1] =	stream.linear.gather [hbm4b:s28+s5], $0x80, $0x38;
	[tilespmem:$0x15100] =	vst v63  }
0x42: {  	s29 =	smov.u32 s26;
	s26 =	sadd.s32 $0x800, s26;
	_ =	swait.ge [sflag:s19], $0x80  }
0x43: {  	[sflag:s19] =	ssyncset.done $0x0  }
0x44: {  	s30 =	sadd.s32 s29, s16;
	[sflag:s19] =	ssyncadd.s32 $0xFFFFFF80  }
0x45: {  	[tilespmem:s22], [sflag:$0x1] =	stream.linear.gather [hbm4b:s30+s5], $0x4000, $0x38;
	[tilespmem:$0x15100] =	vst v63  }
0x46: {  	_ =	swait.ge [sflag:s19], $0x4000  }
0x47: {  	[sflag:s19] =	ssyncset.done $0x0  }
0x48: {  	s29 =	sadd.s32 s29, s15;
	[sflag:s19] =	ssyncadd.s32 $0xFFFFC000  }
0x49: {  	[tilespmem:s23], [sflag:$0x1] =	stream.linear.gather [hbm4b:s29+s5], $0x4000, $0x38;
	[tilespmem:$0x15100] =	vst v63  }
0x4a: {  	_ =	swait.ge [sflag:s19], $0x4000  }
0x4b: {  	[sflag:s19] =	ssyncset.done $0x0  }
0x4c: {  	[sflag:s19] =	ssyncadd.s32 $0xFFFFC000  }
0x4d: {  	[spmem:s1] =	stream.indirect.scatter.add.f32 [tilespmem:s22], [sflag:$0x1], $0x80, s5, s22, $0xb8;
	[tilespmem:$0x15100] =	vst v63  }
0x4e: {  	_ =	swait.ge [sflag:s19], $0x4000  }
0x4f: {  	[sflag:s19] =	ssyncset.done $0x0  }
0x50: {  	[sflag:s19] =	ssyncadd.s32 $0xFFFFC000  }
0x51: {  	[spmem:s2] =	stream.indirect.scatter.add.f32 [tilespmem:s23], [sflag:$0x1], $0x80, s5, s22, $0xb8;
	[tilespmem:$0x15100] =	vst v63  }
0x52: {  	_ =	swait.ge [sflag:s19], $0x4000  }
.Ltmp0:
0x53: {  	[sflag:s19] =	ssyncset.done $0x0;
	(pc) =	sbr.rel @p0 .LBB2_2-.Ltmp0, $4  }
0x54: {  	[sflag:s19] =	ssyncadd.s32 $0xFFFFC000  }
0x55: {  	[spmem:s4] =	stream.indirect.scatter.add.f32 [tilespmem:s21], [sflag:$0x1], $0x10, s5, s22, $0xb8;
	[tilespmem:$0x15100] =	vst v63  }
0x56: {  	_ =	swait.ge [sflag:s19], $0x800  }
0x57: {  	[sflag:s19] =	ssyncset.done $0x0  }
0x58: {  	[sflag:s19] =	ssyncadd.s32 $0xFFFFF800  }
0x59: {  	[hbm:s11], [sflag:s9] =	dma.local [spmem:s18], $0x880  }
0x5a: {  	_ =	swait.ge [sflag:s19], $0x880  }
0x5b: {  	[sflag:s19] =	ssyncset.done $0x0  }
0x5c: {  	[sflag:s19] =	ssyncadd.s32 $0xFFFFF780  }
0x5d: {  	[hbm:s12], [sflag:s9] =	dma.local [spmem:s20], $0x880  }
0x5e: {  	s24 =	sadd.s32 $0x1, s24;
	_ =	swait.ge [sflag:s19], $0x880  }
0x5f: {  	p0 =	sne.s32 s24, s14;
	[sflag:s19] =	ssyncset.done $0x0  }
.Ltmp1:
0x60: {  	[sflag:s19] =	ssyncadd.s32 $0xFFFFF780;
	(pc) =	sbr.rel @p0 .LBB2_1-.Ltmp1, $4  }
0x61: {  	[hbm:s13], [sflag:s9] =	dma.local [spmem:s25], $0x880  }
0x62: {  	_ =	swait.ge [sflag:s19], $0x880  }
0x63: {  	[sflag:s19] =	ssyncset.done $0x0  }
0x64: {  	[sflag:s19] =	ssyncadd.s32 $0xFFFFF780  }
0x65: {  	_ =	sfence.sel $0x180000  }
0x66: {  	[bflag:$0x0] =	sbarrier.arrive $0xFFFF  }
0x67: {  	p0 =	sne.s32 s3, $0x0;
	_ =	strace $0x90000047  }
0x68: {  	s0 =	sadd.s32 @!p0 $0x100000, s0;
	[bflag:$0x2] =	sbarrier.arrive $0xFFFF  }
0x69: {  	[sflag:s0] =	ssyncadd.tile.s32 @!p0 $0x1;
	_ =	shalt  }
.Lfunc_end2:
_tile_overlayer_lowered:
.L_overlay_start_2:
0x6a: {  	(tag) =	ssettag $0x2  }
0x6b: {  	s0 =	rddreg [dreg:$0x0];
	s2 =	stileid.u32  }
0x6c: {  	s1 =	rddreg [dreg:$0x1];
	p0 =	sne.s32 s2, $0x0  }
0x6d: {  	s3 =	rddreg [dreg:$0x2];
	[bflag:$0x3] =	sbarrier.arrive $0xFFFF;
	s2 =	simm.s32 @!p0 $0x1C01  }
0x6e: {  	[timem:s3], [sflag:s2] =	dma.local @!p0 [hbm:s0], s1  }
0x6f: {  	s0 =	simm.s32 @!p0 $0x1  }
0x70: {  	_ =	swait.ge @!p0 [sflag:s0], s1  }
0x71: {  	s1 =	ssub.s32 @!p0 $0x0, s1;
	[sflag:s0] =	ssyncset.done @!p0 $0x0  }
0x72: {  	[sflag:s0] =	ssyncadd.s32 @!p0 s1  }
0x73: {  	[bflag:$0x3] =	sbarrier.arrive $0xFFFF  }
0x74: {  	_ =	shalt  }

</sc_bundles>
